<compile_context>
chip_gen: v7x
topology: tpu7x:2x2x1
jax: 0.10.2.dev20260603
libtpu: 0.0.44.dev20260713+nightly
codegen_flags: <defaults>
</compile_context>

<pallas_src>
import functools

import jax
import jax.numpy as jnp
from jax import lax
from jax.experimental import pallas as pl
from jax.experimental.pallas import tpu as pltpu
from jax.experimental.pallas import tpu_sc as plsc

_B, _N, _F, _D = 4, 100000, 200000, 128
_NC, _NS = 2, 16
_NW = _NC * _NS
_WPB = _NW // _B
_FPW = _F // _WPB
_NCH = 5
_CH = _FPW // _NCH
_CHP = ((_CH + 15) // 16) * 16
_GSTEPS = _CHP // 16


def _edges_body(face_hbm, out_hbm, faces_hbm, fin, cols):
    wid = lax.axis_index("s") * _NC + lax.axis_index("c")
    b = wid // _WPB
    i0 = (wid % _WPB) * _FPW
    iota3 = lax.iota(jnp.int32, 16) * 3

    def chunk_body(ch, carry):
        base = i0 + ch * _CH
        fbase = b * 3 * _F + 3 * base
        pltpu.sync_copy(face_hbm.at[pl.ds(fbase, 3 * _CH)],
                        fin.at[pl.ds(0, 3 * _CH)])
        pltpu.sync_copy(fin.at[pl.ds(0, 3 * _CH)],
                        faces_hbm.at[pl.ds(fbase, 3 * _CH)])

        def gather_body(j, c2):
            src = j * 48 + iota3
            dst = j * 16
            for c in range(3):
                vals = plsc.load_gather(fin, [src + c])
                cols[pl.ds(c * _CHP + dst, 16)] = vals
            return c2

        lax.fori_loop(0, _GSTEPS, gather_body, 0, unroll=2)

        obase = b * 6 * _F + base
        for c in range(3):
            col = cols.at[pl.ds(c * _CHP, _CH)]
            pltpu.sync_copy(col, out_hbm.at[pl.ds(obase + c * _F, _CH)])
            s1 = (c + 2) % 3
            pltpu.sync_copy(col, out_hbm.at[pl.ds(obase + 3 * _F + s1 * _F, _CH)])
        return carry

    lax.fori_loop(0, _NCH, chunk_body, 0)


_edges_call = functools.partial(
    pl.kernel,
    mesh=plsc.VectorSubcoreMesh(core_axis_name="c", subcore_axis_name="s"),
    out_type=(
        jax.ShapeDtypeStruct((_B * 2 * 3 * _F,), jnp.int32),
        jax.ShapeDtypeStruct((_B * 3 * _F,), jnp.int32),
    ),
    compiler_params=pltpu.CompilerParams(needs_layout_passes=False),
    scratch_types=[
        pltpu.VMEM((3 * _CH + 64,), jnp.int32),
        pltpu.VMEM((3 * _CHP,), jnp.int32),
    ],
)(_edges_body)


_ROWS = _B * _N
_RBLK = 8000


def _copy_body(src_ref, dst_ref):
    dst_ref[...] = src_ref[...]


def _verts_copy(x2):
    return pl.pallas_call(
        _copy_body,
        grid=(_ROWS // _RBLK,),
        in_specs=[pl.BlockSpec((_RBLK, _D), lambda i: (i, 0))],
        out_specs=pl.BlockSpec((_RBLK, _D), lambda i: (i, 0)),
        out_shape=jax.ShapeDtypeStruct((_ROWS, _D), jnp.float32),
    )(x2)


def kernel(x, mask, face):
    del mask
    face_flat = face.reshape(_B * 3 * _F)
    edges_flat, faces_flat = _edges_call(face_flat)
    new_edges = edges_flat.reshape(_B, 2, 3 * _F)
    new_faces = faces_flat.reshape(_B, _F, 3)
    new_verts = _verts_copy(x.reshape(_ROWS, _D)).reshape(_B, _N, _D)
    return (new_verts, new_faces, new_edges)

# --- scband reference (transcript-rebuilt; emitter-appended) ---
"""Pipeline reference for scband-graph-diff-edge-unpool-19799799234719 (READ-ONLY COPY).

The authoritative reference and input builder live on the scoring server;
editing this copy changes nothing except your own understanding.
"""

import jax, jax.numpy as jnp
import numpy as np

B, N, F, D = 4, 100000, 200000, 128


def setup_inputs(seed: int = 0) -> dict:
    key = jax.random.key(seed)
    k1, k2 = jax.random.split(key)
    x = jax.random.normal(k1, (B, N, D), dtype=jnp.float32)
    # mask == 0 for every face -> pool_face is empty for every batch element,
    # so the module takes the early-continue branch for all b (see notes).
    mask = jnp.zeros((B, F), dtype=jnp.int32)
    face = jax.random.randint(k2, (B, F, 3), 0, N, dtype=jnp.int32)
    return {"x": x, "mask": mask, "face": face}


def reference(x, mask, face):
    # Faithful translation of GraphDiffEdgeUnpool.forward for inputs where
    # mask[b] == 0 everywhere (pool_face.shape[0] == 0 branch for every b):
    #   new_edges = cat([face[b][:, :2], face[b][:, 1:], face[b][:, [-1, 0]]], dim=0).t()
    #   new_verts = x[b]; new_faces = face[b]
    # Vectorized over the batch dimension (identical math per b).
    e0 = face[:, :, 0:2]                      # [B, F, 2]
    e1 = face[:, :, 1:3]                      # [B, F, 2]
    e2 = face[:, :, jnp.array([2, 0])]        # [B, F, 2]  == face[:, [-1, 0]]
    new_edges = jnp.concatenate([e0, e1, e2], axis=1)   # [B, 3F, 2]
    new_edges = jnp.transpose(new_edges, (0, 2, 1))     # [B, 2, 3F]  (the .t() per batch)
    new_verts = x                              # [B, N, D]
    new_faces = face                           # [B, F, 3]
    return (new_verts, new_faces, new_edges)

if __name__ == "__main__":
    import jax
    _d = setup_inputs()
    print(jax.jit(kernel)(*tuple(_d.values())))

</pallas_src>

<mosaic_0001>
#map = affine_map<(d0, d1) -> (0)>
module attributes {stable_mosaic.version = 14 : i64} {
  func.func @_edges_body(%arg0: i32, %arg1: i32, %arg2: memref<2400000xi32, #tpu.memory_space<hbm>>, %arg3: memref<4800000xi32, #tpu.memory_space<hbm>>, %arg4: memref<2400000xi32, #tpu.memory_space<hbm>>, %arg5: memref<15064xi32, #tpu.memory_space<vmem>>, %arg6: memref<15024xi32, #tpu.memory_space<vmem>>) attributes {dimension_semantics = [#tpu.dimension_semantics<core_parallel>, #tpu.dimension_semantics<subcore_parallel>], iteration_bounds = array<i64: 2, 16>, scalar_prefetch = 0 : i64, scratch_operands = 2 : i64, tpu.core_type = #tpu.core_type<sc_vector_subcore>, window_params = [{transform_indices = #map}, {transform_indices = #map}, {transform_indices = #map}]} {
    %mul3A = arith.constant 2 : i32
    %mul3A_0 = arith.muli %arg1, %mul3A : i32
    %add3A = arith.addi %mul3A_0, %arg0 : i32
    %jit3A = arith.constant 8 : i32
    %div3A = arith.divsi %add3A, %jit3A : i32
    %sign3A = arith.constant 0 : i32
    %sign3A_1 = arith.cmpi sgt, %add3A, %sign3A : i32
    %sign3A_2 = arith.extui %sign3A_1 : i1 to i32
    %sign3A_3 = arith.constant 0 : i32
    %sign3A_4 = arith.cmpi slt, %add3A, %sign3A_3 : i32
    %sign3A_5 = arith.extui %sign3A_4 : i1 to i32
    %sign3A_6 = arith.subi %sign3A_2, %sign3A_5 : i32
    %sign3A_7 = arith.constant 0 : i32
    %sign3A_8 = arith.cmpi sgt, %jit3A, %sign3A_7 : i32
    %sign3A_9 = arith.extui %sign3A_8 : i1 to i32
    %sign3A_10 = arith.constant 0 : i32
    %sign3A_11 = arith.cmpi slt, %jit3A, %sign3A_10 : i32
    %sign3A_12 = arith.extui %sign3A_11 : i1 to i32
    %sign3A_13 = arith.subi %sign3A_9, %sign3A_12 : i32
    %ne3A = arith.cmpi ne, %sign3A_6, %sign3A_13 : i32
    %rem3A = arith.remsi %add3A, %jit3A : i32
    %ne3A_14 = arith.constant 0 : i32
    %ne3A_15 = arith.cmpi ne, %rem3A, %ne3A_14 : i32
    %and3A = arith.andi %ne3A, %ne3A_15 : i1
    %sub3A = arith.constant 1 : i32
    %sub3A_16 = arith.subi %div3A, %sub3A : i32
    %select_n3A = arith.select %and3A, %sub3A_16, %div3A : i32
    %jit3A_17 = arith.constant 8 : i32
    %eq3A = arith.constant 0 : i32
    %eq3A_18 = arith.cmpi eq, %jit3A_17, %eq3A : i32
    %jit3A_19 = arith.constant 1 : i32
    %select_n3A_20 = arith.select %eq3A_18, %jit3A_19, %jit3A_17 : i32
    %rem3A_21 = arith.remsi %add3A, %select_n3A_20 : i32
    %ne3A_22 = arith.constant 0 : i32
    %ne3A_23 = arith.cmpi ne, %rem3A_21, %ne3A_22 : i32
    %lt3A = arith.constant 0 : i32
    %lt3A_24 = arith.cmpi slt, %rem3A_21, %lt3A : i32
    %lt3A_25 = arith.constant 0 : i32
    %lt3A_26 = arith.cmpi slt, %select_n3A_20, %lt3A_25 : i32
    %ne3A_27 = arith.xori %lt3A_24, %lt3A_26 : i1
    %and3A_28 = arith.andi %ne3A_27, %ne3A_23 : i1
    %add3A_29 = arith.addi %rem3A_21, %select_n3A_20 : i32
    %select_n3A_30 = arith.select %and3A_28, %add3A_29, %rem3A_21 : i32
    %mul3A_31 = arith.constant 25000 : i32
    %mul3A_32 = arith.muli %select_n3A_30, %mul3A_31 : i32
    %iota3A = tpu.iota {dimensions = array<i32: 0>} : vector<16xi32>
    %mul3A_33 = arith.constant 3 : i32
    %mul3A_34 = vector.broadcast %mul3A_33 : i32 to vector<16xi32>
    %mul3A_35 = arith.muli %iota3A, %mul3A_34 : vector<16xi32>
    %scan3A = arith.constant 0 : i32
    %scan3A_36 = arith.constant 0 : i32
    %scan3A_37 = arith.constant 5 : i32
    %scan3A_38 = arith.addi %scan3A_36, %scan3A_37 : i32
    %scan3A_39 = arith.constant 1 : i32
    scf.for %scan3A_41 = %scan3A_36 to %scan3A_38 step %scan3A_39  : i32 {
      %mul3A_42 = arith.constant 5000 : i32
      %mul3A_43 = arith.muli %scan3A_41, %mul3A_42 : i32
      %add3A_44 = arith.addi %mul3A_32, %mul3A_43 : i32
      %mul3A_45 = arith.constant 3 : i32
      %mul3A_46 = arith.muli %select_n3A, %mul3A_45 : i32
      %mul3A_47 = arith.constant 200000 : i32
      %mul3A_48 = arith.muli %mul3A_46, %mul3A_47 : i32
      %mul3A_49 = arith.constant 3 : i32
      %mul3A_50 = arith.muli %mul3A_49, %add3A_44 : i32
      %add3A_51 = arith.addi %mul3A_48, %mul3A_50 : i32
      "tpu.region"() ({
        %run_scoped3A = tpu.sem_alloc : memref<!tpu.dma_semaphore, #tpu.memory_space<semaphore_mem>>
        %dma_start3A = arith.constant 0 : i32
        %dma_start3A_111 = tpu.memref_slice %arg5[%dma_start3A] : memref<15064xi32, #tpu.memory_space<vmem>> -> memref<15000xi32, #tpu.memory_space<vmem>>
        %dma_start3A_112 = tpu.memref_slice %arg2[%add3A_51] : memref<2400000xi32, #tpu.memory_space<hbm>> -> memref<15000xi32, #tpu.memory_space<hbm>>
        %dma_start3A_113 = arith.constant 0 : i32
        %dma_start3A_114 = tpu.memref_slice %arg5[%dma_start3A_113] : memref<15064xi32, #tpu.memory_space<vmem>> -> memref<15000xi32, #tpu.memory_space<vmem>>
        %dma_start3A_115 = tpu.memref_slice %arg2[%add3A_51] : memref<2400000xi32, #tpu.memory_space<hbm>> -> memref<15000xi32, #tpu.memory_space<hbm>>
        tpu.enqueue_dma source(%dma_start3A_115 : memref<15000xi32, #tpu.memory_space<hbm>>) target(%dma_start3A_114 : memref<15000xi32, #tpu.memory_space<vmem>>) target_semaphore(%run_scoped3A : memref<!tpu.dma_semaphore, #tpu.memory_space<semaphore_mem>>)
        %dma_wait3A = arith.constant 0 : i32
        %dma_wait3A_116 = tpu.memref_slice %arg5[%dma_wait3A] : memref<15064xi32, #tpu.memory_space<vmem>> -> memref<15000xi32, #tpu.memory_space<vmem>>
        %dma_wait3A_117 = tpu.memref_slice %arg2[%add3A_51] : memref<2400000xi32, #tpu.memory_space<hbm>> -> memref<15000xi32, #tpu.memory_space<hbm>>
        %dma_wait3A_118 = arith.constant 0 : i32
        %dma_wait3A_119 = tpu.memref_slice %arg5[%dma_wait3A_118] : memref<15064xi32, #tpu.memory_space<vmem>> -> memref<15000xi32, #tpu.memory_space<vmem>>
        %dma_wait3A_120 = tpu.memref_slice %arg2[%add3A_51] : memref<2400000xi32, #tpu.memory_space<hbm>> -> memref<15000xi32, #tpu.memory_space<hbm>>
        tpu.wait_dma2 semaphore(%run_scoped3A : memref<!tpu.dma_semaphore, #tpu.memory_space<semaphore_mem>>) src(%dma_wait3A_120 : memref<15000xi32, #tpu.memory_space<hbm>>) dst(%dma_wait3A_119 : memref<15000xi32, #tpu.memory_space<vmem>>)
        tpu.yield
      }) : () -> ()
      "tpu.region"() ({
        %run_scoped3A = tpu.sem_alloc : memref<!tpu.dma_semaphore, #tpu.memory_space<semaphore_mem>>
        %dma_start3A = arith.constant 0 : i32
        %dma_start3A_111 = tpu.memref_slice %arg5[%dma_start3A] : memref<15064xi32, #tpu.memory_space<vmem>> -> memref<15000xi32, #tpu.memory_space<vmem>>
        %dma_start3A_112 = tpu.memref_slice %arg4[%add3A_51] : memref<2400000xi32, #tpu.memory_space<hbm>> -> memref<15000xi32, #tpu.memory_space<hbm>>
        %dma_start3A_113 = tpu.memref_slice %arg4[%add3A_51] : memref<2400000xi32, #tpu.memory_space<hbm>> -> memref<15000xi32, #tpu.memory_space<hbm>>
        %dma_start3A_114 = arith.constant 0 : i32
        %dma_start3A_115 = tpu.memref_slice %arg5[%dma_start3A_114] : memref<15064xi32, #tpu.memory_space<vmem>> -> memref<15000xi32, #tpu.memory_space<vmem>>
        tpu.enqueue_dma source(%dma_start3A_115 : memref<15000xi32, #tpu.memory_space<vmem>>) target(%dma_start3A_113 : memref<15000xi32, #tpu.memory_space<hbm>>) target_semaphore(%run_scoped3A : memref<!tpu.dma_semaphore, #tpu.memory_space<semaphore_mem>>)
        %dma_wait3A = arith.constant 0 : i32
        %dma_wait3A_116 = tpu.memref_slice %arg5[%dma_wait3A] : memref<15064xi32, #tpu.memory_space<vmem>> -> memref<15000xi32, #tpu.memory_space<vmem>>
        %dma_wait3A_117 = tpu.memref_slice %arg4[%add3A_51] : memref<2400000xi32, #tpu.memory_space<hbm>> -> memref<15000xi32, #tpu.memory_space<hbm>>
        %dma_wait3A_118 = tpu.memref_slice %arg4[%add3A_51] : memref<2400000xi32, #tpu.memory_space<hbm>> -> memref<15000xi32, #tpu.memory_space<hbm>>
        %dma_wait3A_119 = arith.constant 0 : i32
        %dma_wait3A_120 = tpu.memref_slice %arg5[%dma_wait3A_119] : memref<15064xi32, #tpu.memory_space<vmem>> -> memref<15000xi32, #tpu.memory_space<vmem>>
        tpu.wait_dma2 semaphore(%run_scoped3A : memref<!tpu.dma_semaphore, #tpu.memory_space<semaphore_mem>>) src(%dma_wait3A_120 : memref<15000xi32, #tpu.memory_space<vmem>>) dst(%dma_wait3A_118 : memref<15000xi32, #tpu.memory_space<hbm>>)
        tpu.yield
      }) : () -> ()
      %scan3A_52 = arith.constant 0 : i32
      %scan3A_53 = arith.constant 0 : i32
      %scan3A_54 = arith.constant 312 : i32
      %scan3A_55 = arith.addi %scan3A_53, %scan3A_54 : i32
      %scan3A_56 = arith.constant 2 : i32
      scf.for %scan3A_111 = %scan3A_53 to %scan3A_55 step %scan3A_56  : i32 {
        %mul3A_112 = arith.constant 48 : i32
        %mul3A_113 = arith.muli %scan3A_111, %mul3A_112 : i32
        %add3A_114 = vector.broadcast %mul3A_113 : i32 to vector<16xi32>
        %add3A_115 = arith.addi %add3A_114, %mul3A_35 : vector<16xi32>
        %mul3A_116 = arith.constant 16 : i32
        %mul3A_117 = arith.muli %scan3A_111, %mul3A_116 : i32
        %add3A_118 = arith.constant 0 : i32
        %add3A_119 = vector.broadcast %add3A_118 : i32 to vector<16xi32>
        %add3A_120 = arith.addi %add3A_115, %add3A_119 : vector<16xi32>
        %gather3A_121 = tpu.vector_load_idx %arg5[%add3A_120] : memref<15064xi32, #tpu.memory_space<vmem>>[vector<16xi32>], vector<16xi32>,
        %add3A_122 = arith.constant 0 : i32
        %add3A_123 = arith.addi %add3A_122, %mul3A_117 : i32
        %swap3A_124 = arith.index_cast %add3A_123 : i32 to index
        %swap3A_125 = tpu.vector_load %arg6[%swap3A_124] {strides = array<i32>} : memref<15024xi32, #tpu.memory_space<vmem>>, vector<16xi32>,
        tpu.vector_store %arg6[%swap3A_124], %gather3A_121 {strides = array<i32>} : memref<15024xi32, #tpu.memory_space<vmem>>, vector<16xi32>,
        %add3A_126 = arith.constant 1 : i32
        %add3A_127 = vector.broadcast %add3A_126 : i32 to vector<16xi32>
        %add3A_128 = arith.addi %add3A_115, %add3A_127 : vector<16xi32>
        %gather3A_129 = tpu.vector_load_idx %arg5[%add3A_128] : memref<15064xi32, #tpu.memory_space<vmem>>[vector<16xi32>], vector<16xi32>,
        %add3A_130 = arith.constant 5008 : i32
        %add3A_131 = arith.addi %add3A_130, %mul3A_117 : i32
        %swap3A_132 = arith.index_cast %add3A_131 : i32 to index
        %swap3A_133 = tpu.vector_load %arg6[%swap3A_132] {strides = array<i32>} : memref<15024xi32, #tpu.memory_space<vmem>>, vector<16xi32>,
        tpu.vector_store %arg6[%swap3A_132], %gather3A_129 {strides = array<i32>} : memref<15024xi32, #tpu.memory_space<vmem>>, vector<16xi32>,
        %add3A_134 = arith.constant 2 : i32
        %add3A_135 = vector.broadcast %add3A_134 : i32 to vector<16xi32>
        %add3A_136 = arith.addi %add3A_115, %add3A_135 : vector<16xi32>
        %gather3A_137 = tpu.vector_load_idx %arg5[%add3A_136] : memref<15064xi32, #tpu.memory_space<vmem>>[vector<16xi32>], vector<16xi32>,
        %add3A_138 = arith.constant 10016 : i32
        %add3A_139 = arith.addi %add3A_138, %mul3A_117 : i32
        %swap3A_140 = arith.index_cast %add3A_139 : i32 to index
        %swap3A_141 = tpu.vector_load %arg6[%swap3A_140] {strides = array<i32>} : memref<15024xi32, #tpu.memory_space<vmem>>, vector<16xi32>,
        tpu.vector_store %arg6[%swap3A_140], %gather3A_137 {strides = array<i32>} : memref<15024xi32, #tpu.memory_space<vmem>>, vector<16xi32>,
        %scan3A_142 = arith.constant 1 : i32
        %scan3A_143 = arith.addi %scan3A_111, %scan3A_142 : i32
        %mul3A_144 = arith.constant 48 : i32
        %mul3A_145 = arith.muli %scan3A_143, %mul3A_144 : i32
        %add3A_146 = vector.broadcast %mul3A_145 : i32 to vector<16xi32>
        %add3A_147 = arith.addi %add3A_146, %mul3A_35 : vector<16xi32>
        %mul3A_148 = arith.constant 16 : i32
        %mul3A_149 = arith.muli %scan3A_143, %mul3A_148 : i32
        %add3A_150 = arith.constant 0 : i32
        %add3A_151 = vector.broadcast %add3A_150 : i32 to vector<16xi32>
        %add3A_152 = arith.addi %add3A_147, %add3A_151 : vector<16xi32>
        %gather3A_153 = tpu.vector_load_idx %arg5[%add3A_152] : memref<15064xi32, #tpu.memory_space<vmem>>[vector<16xi32>], vector<16xi32>,
        %add3A_154 = arith.constant 0 : i32
        %add3A_155 = arith.addi %add3A_154, %mul3A_149 : i32
        %swap3A_156 = arith.index_cast %add3A_155 : i32 to index
        %swap3A_157 = tpu.vector_load %arg6[%swap3A_156] {strides = array<i32>} : memref<15024xi32, #tpu.memory_space<vmem>>, vector<16xi32>,
        tpu.vector_store %arg6[%swap3A_156], %gather3A_153 {strides = array<i32>} : memref<15024xi32, #tpu.memory_space<vmem>>, vector<16xi32>,
        %add3A_158 = arith.constant 1 : i32
        %add3A_159 = vector.broadcast %add3A_158 : i32 to vector<16xi32>
        %add3A_160 = arith.addi %add3A_147, %add3A_159 : vector<16xi32>
        %gather3A_161 = tpu.vector_load_idx %arg5[%add3A_160] : memref<15064xi32, #tpu.memory_space<vmem>>[vector<16xi32>], vector<16xi32>,
        %add3A_162 = arith.constant 5008 : i32
        %add3A_163 = arith.addi %add3A_162, %mul3A_149 : i32
        %swap3A_164 = arith.index_cast %add3A_163 : i32 to index
        %swap3A_165 = tpu.vector_load %arg6[%swap3A_164] {strides = array<i32>} : memref<15024xi32, #tpu.memory_space<vmem>>, vector<16xi32>,
        tpu.vector_store %arg6[%swap3A_164], %gather3A_161 {strides = array<i32>} : memref<15024xi32, #tpu.memory_space<vmem>>, vector<16xi32>,
        %add3A_166 = arith.constant 2 : i32
        %add3A_167 = vector.broadcast %add3A_166 : i32 to vector<16xi32>
        %add3A_168 = arith.addi %add3A_147, %add3A_167 : vector<16xi32>
        %gather3A_169 = tpu.vector_load_idx %arg5[%add3A_168] : memref<15064xi32, #tpu.memory_space<vmem>>[vector<16xi32>], vector<16xi32>,
        %add3A_170 = arith.constant 10016 : i32
        %add3A_171 = arith.addi %add3A_170, %mul3A_149 : i32
        %swap3A_172 = arith.index_cast %add3A_171 : i32 to index
        %swap3A_173 = tpu.vector_load %arg6[%swap3A_172] {strides = array<i32>} : memref<15024xi32, #tpu.memory_space<vmem>>, vector<16xi32>,
        tpu.vector_store %arg6[%swap3A_172], %gather3A_169 {strides = array<i32>} : memref<15024xi32, #tpu.memory_space<vmem>>, vector<16xi32>,
      }
      %scan3A_57 = arith.constant 312 : i32
      %scan3A_58 = arith.addi %scan3A_53, %scan3A_57 : i32
      %mul3A_59 = arith.constant 48 : i32
      %mul3A_60 = arith.muli %scan3A_58, %mul3A_59 : i32
      %add3A_61 = vector.broadcast %mul3A_60 : i32 to vector<16xi32>
      %add3A_62 = arith.addi %add3A_61, %mul3A_35 : vector<16xi32>
      %mul3A_63 = arith.constant 16 : i32
      %mul3A_64 = arith.muli %scan3A_58, %mul3A_63 : i32
      %add3A_65 = arith.constant 0 : i32
      %add3A_66 = vector.broadcast %add3A_65 : i32 to vector<16xi32>
      %add3A_67 = arith.addi %add3A_62, %add3A_66 : vector<16xi32>
      %gather3A = tpu.vector_load_idx %arg5[%add3A_67] : memref<15064xi32, #tpu.memory_space<vmem>>[vector<16xi32>], vector<16xi32>,
      %add3A_68 = arith.constant 0 : i32
      %add3A_69 = arith.addi %add3A_68, %mul3A_64 : i32
      %swap3A = arith.index_cast %add3A_69 : i32 to index
      %swap3A_70 = tpu.vector_load %arg6[%swap3A] {strides = array<i32>} : memref<15024xi32, #tpu.memory_space<vmem>>, vector<16xi32>,
      tpu.vector_store %arg6[%swap3A], %gather3A {strides = array<i32>} : memref<15024xi32, #tpu.memory_space<vmem>>, vector<16xi32>,
      %add3A_71 = arith.constant 1 : i32
      %add3A_72 = vector.broadcast %add3A_71 : i32 to vector<16xi32>
      %add3A_73 = arith.addi %add3A_62, %add3A_72 : vector<16xi32>
      %gather3A_74 = tpu.vector_load_idx %arg5[%add3A_73] : memref<15064xi32, #tpu.memory_space<vmem>>[vector<16xi32>], vector<16xi32>,
      %add3A_75 = arith.constant 5008 : i32
      %add3A_76 = arith.addi %add3A_75, %mul3A_64 : i32
      %swap3A_77 = arith.index_cast %add3A_76 : i32 to index
      %swap3A_78 = tpu.vector_load %arg6[%swap3A_77] {strides = array<i32>} : memref<15024xi32, #tpu.memory_space<vmem>>, vector<16xi32>,
      tpu.vector_store %arg6[%swap3A_77], %gather3A_74 {strides = array<i32>} : memref<15024xi32, #tpu.memory_space<vmem>>, vector<16xi32>,
      %add3A_79 = arith.constant 2 : i32
      %add3A_80 = vector.broadcast %add3A_79 : i32 to vector<16xi32>
      %add3A_81 = arith.addi %add3A_62, %add3A_80 : vector<16xi32>
      %gather3A_82 = tpu.vector_load_idx %arg5[%add3A_81] : memref<15064xi32, #tpu.memory_space<vmem>>[vector<16xi32>], vector<16xi32>,
      %add3A_83 = arith.constant 10016 : i32
      %add3A_84 = arith.addi %add3A_83, %mul3A_64 : i32
      %swap3A_85 = arith.index_cast %add3A_84 : i32 to index
      %swap3A_86 = tpu.vector_load %arg6[%swap3A_85] {strides = array<i32>} : memref<15024xi32, #tpu.memory_space<vmem>>, vector<16xi32>,
      tpu.vector_store %arg6[%swap3A_85], %gather3A_82 {strides = array<i32>} : memref<15024xi32, #tpu.memory_space<vmem>>, vector<16xi32>,
      %scan3A_87 = arith.constant 313 : i32
      %mul3A_88 = arith.constant 6 : i32
      %mul3A_89 = arith.muli %select_n3A, %mul3A_88 : i32
      %mul3A_90 = arith.constant 200000 : i32
      %mul3A_91 = arith.muli %mul3A_89, %mul3A_90 : i32
      %add3A_92 = arith.addi %mul3A_91, %add3A_44 : i32
      %add3A_93 = arith.constant 0 : i32
      %add3A_94 = arith.addi %add3A_92, %add3A_93 : i32
      "tpu.region"() ({
        %run_scoped3A = tpu.sem_alloc : memref<!tpu.dma_semaphore, #tpu.memory_space<semaphore_mem>>
        %dma_start3A = arith.constant 0 : i32
        %dma_start3A_111 = tpu.memref_slice %arg6[%dma_start3A] : memref<15024xi32, #tpu.memory_space<vmem>> -> memref<5000xi32, #tpu.memory_space<vmem>>
        %dma_start3A_112 = tpu.memref_slice %arg3[%add3A_94] : memref<4800000xi32, #tpu.memory_space<hbm>> -> memref<5000xi32, #tpu.memory_space<hbm>>
        %dma_start3A_113 = tpu.memref_slice %arg3[%add3A_94] : memref<4800000xi32, #tpu.memory_space<hbm>> -> memref<5000xi32, #tpu.memory_space<hbm>>
        %dma_start3A_114 = arith.constant 0 : i32
        %dma_start3A_115 = tpu.memref_slice %arg6[%dma_start3A_114] : memref<15024xi32, #tpu.memory_space<vmem>> -> memref<5000xi32, #tpu.memory_space<vmem>>
        tpu.enqueue_dma source(%dma_start3A_115 : memref<5000xi32, #tpu.memory_space<vmem>>) target(%dma_start3A_113 : memref<5000xi32, #tpu.memory_space<hbm>>) target_semaphore(%run_scoped3A : memref<!tpu.dma_semaphore, #tpu.memory_space<semaphore_mem>>)
        %dma_wait3A = arith.constant 0 : i32
        %dma_wait3A_116 = tpu.memref_slice %arg6[%dma_wait3A] : memref<15024xi32, #tpu.memory_space<vmem>> -> memref<5000xi32, #tpu.memory_space<vmem>>
        %dma_wait3A_117 = tpu.memref_slice %arg3[%add3A_94] : memref<4800000xi32, #tpu.memory_space<hbm>> -> memref<5000xi32, #tpu.memory_space<hbm>>
        %dma_wait3A_118 = tpu.memref_slice %arg3[%add3A_94] : memref<4800000xi32, #tpu.memory_space<hbm>> -> memref<5000xi32, #tpu.memory_space<hbm>>
        %dma_wait3A_119 = arith.constant 0 : i32
        %dma_wait3A_120 = tpu.memref_slice %arg6[%dma_wait3A_119] : memref<15024xi32, #tpu.memory_space<vmem>> -> memref<5000xi32, #tpu.memory_space<vmem>>
        tpu.wait_dma2 semaphore(%run_scoped3A : memref<!tpu.dma_semaphore, #tpu.memory_space<semaphore_mem>>) src(%dma_wait3A_120 : memref<5000xi32, #tpu.memory_space<vmem>>) dst(%dma_wait3A_118 : memref<5000xi32, #tpu.memory_space<hbm>>)
        tpu.yield
      }) : () -> ()
      %add3A_95 = arith.constant 600000 : i32
      %add3A_96 = arith.addi %add3A_92, %add3A_95 : i32
      %add3A_97 = arith.constant 400000 : i32
      %add3A_98 = arith.addi %add3A_96, %add3A_97 : i32
      "tpu.region"() ({
        %run_scoped3A = tpu.sem_alloc : memref<!tpu.dma_semaphore, #tpu.memory_space<semaphore_mem>>
        %dma_start3A = arith.constant 0 : i32
        %dma_start3A_111 = tpu.memref_slice %arg6[%dma_start3A] : memref<15024xi32, #tpu.memory_space<vmem>> -> memref<5000xi32, #tpu.memory_space<vmem>>
        %dma_start3A_112 = tpu.memref_slice %arg3[%add3A_98] : memref<4800000xi32, #tpu.memory_space<hbm>> -> memref<5000xi32, #tpu.memory_space<hbm>>
        %dma_start3A_113 = tpu.memref_slice %arg3[%add3A_98] : memref<4800000xi32, #tpu.memory_space<hbm>> -> memref<5000xi32, #tpu.memory_space<hbm>>
        %dma_start3A_114 = arith.constant 0 : i32
        %dma_start3A_115 = tpu.memref_slice %arg6[%dma_start3A_114] : memref<15024xi32, #tpu.memory_space<vmem>> -> memref<5000xi32, #tpu.memory_space<vmem>>
        tpu.enqueue_dma source(%dma_start3A_115 : memref<5000xi32, #tpu.memory_space<vmem>>) target(%dma_start3A_113 : memref<5000xi32, #tpu.memory_space<hbm>>) target_semaphore(%run_scoped3A : memref<!tpu.dma_semaphore, #tpu.memory_space<semaphore_mem>>)
        %dma_wait3A = arith.constant 0 : i32
        %dma_wait3A_116 = tpu.memref_slice %arg6[%dma_wait3A] : memref<15024xi32, #tpu.memory_space<vmem>> -> memref<5000xi32, #tpu.memory_space<vmem>>
        %dma_wait3A_117 = tpu.memref_slice %arg3[%add3A_98] : memref<4800000xi32, #tpu.memory_space<hbm>> -> memref<5000xi32, #tpu.memory_space<hbm>>
        %dma_wait3A_118 = tpu.memref_slice %arg3[%add3A_98] : memref<4800000xi32, #tpu.memory_space<hbm>> -> memref<5000xi32, #tpu.memory_space<hbm>>
        %dma_wait3A_119 = arith.constant 0 : i32
        %dma_wait3A_120 = tpu.memref_slice %arg6[%dma_wait3A_119] : memref<15024xi32, #tpu.memory_space<vmem>> -> memref<5000xi32, #tpu.memory_space<vmem>>
        tpu.wait_dma2 semaphore(%run_scoped3A : memref<!tpu.dma_semaphore, #tpu.memory_space<semaphore_mem>>) src(%dma_wait3A_120 : memref<5000xi32, #tpu.memory_space<vmem>>) dst(%dma_wait3A_118 : memref<5000xi32, #tpu.memory_space<hbm>>)
        tpu.yield
      }) : () -> ()
      %add3A_99 = arith.constant 200000 : i32
      %add3A_100 = arith.addi %add3A_92, %add3A_99 : i32
      "tpu.region"() ({
        %run_scoped3A = tpu.sem_alloc : memref<!tpu.dma_semaphore, #tpu.memory_space<semaphore_mem>>
        %dma_start3A = arith.constant 5008 : i32
        %dma_start3A_111 = tpu.memref_slice %arg6[%dma_start3A] : memref<15024xi32, #tpu.memory_space<vmem>> -> memref<5000xi32, #tpu.memory_space<vmem>>
        %dma_start3A_112 = tpu.memref_slice %arg3[%add3A_100] : memref<4800000xi32, #tpu.memory_space<hbm>> -> memref<5000xi32, #tpu.memory_space<hbm>>
        %dma_start3A_113 = tpu.memref_slice %arg3[%add3A_100] : memref<4800000xi32, #tpu.memory_space<hbm>> -> memref<5000xi32, #tpu.memory_space<hbm>>
        %dma_start3A_114 = arith.constant 5008 : i32
        %dma_start3A_115 = tpu.memref_slice %arg6[%dma_start3A_114] : memref<15024xi32, #tpu.memory_space<vmem>> -> memref<5000xi32, #tpu.memory_space<vmem>>
        tpu.enqueue_dma source(%dma_start3A_115 : memref<5000xi32, #tpu.memory_space<vmem>>) target(%dma_start3A_113 : memref<5000xi32, #tpu.memory_space<hbm>>) target_semaphore(%run_scoped3A : memref<!tpu.dma_semaphore, #tpu.memory_space<semaphore_mem>>)
        %dma_wait3A = arith.constant 5008 : i32
        %dma_wait3A_116 = tpu.memref_slice %arg6[%dma_wait3A] : memref<15024xi32, #tpu.memory_space<vmem>> -> memref<5000xi32, #tpu.memory_space<vmem>>
        %dma_wait3A_117 = tpu.memref_slice %arg3[%add3A_100] : memref<4800000xi32, #tpu.memory_space<hbm>> -> memref<5000xi32, #tpu.memory_space<hbm>>
        %dma_wait3A_118 = tpu.memref_slice %arg3[%add3A_100] : memref<4800000xi32, #tpu.memory_space<hbm>> -> memref<5000xi32, #tpu.memory_space<hbm>>
        %dma_wait3A_119 = arith.constant 5008 : i32
        %dma_wait3A_120 = tpu.memref_slice %arg6[%dma_wait3A_119] : memref<15024xi32, #tpu.memory_space<vmem>> -> memref<5000xi32, #tpu.memory_space<vmem>>
        tpu.wait_dma2 semaphore(%run_scoped3A : memref<!tpu.dma_semaphore, #tpu.memory_space<semaphore_mem>>) src(%dma_wait3A_120 : memref<5000xi32, #tpu.memory_space<vmem>>) dst(%dma_wait3A_118 : memref<5000xi32, #tpu.memory_space<hbm>>)
        tpu.yield
      }) : () -> ()
      %add3A_101 = arith.constant 600000 : i32
      %add3A_102 = arith.addi %add3A_92, %add3A_101 : i32
      %add3A_103 = arith.constant 0 : i32
      %add3A_104 = arith.addi %add3A_102, %add3A_103 : i32
      "tpu.region"() ({
        %run_scoped3A = tpu.sem_alloc : memref<!tpu.dma_semaphore, #tpu.memory_space<semaphore_mem>>
        %dma_start3A = arith.constant 5008 : i32
        %dma_start3A_111 = tpu.memref_slice %arg6[%dma_start3A] : memref<15024xi32, #tpu.memory_space<vmem>> -> memref<5000xi32, #tpu.memory_space<vmem>>
        %dma_start3A_112 = tpu.memref_slice %arg3[%add3A_104] : memref<4800000xi32, #tpu.memory_space<hbm>> -> memref<5000xi32, #tpu.memory_space<hbm>>
        %dma_start3A_113 = tpu.memref_slice %arg3[%add3A_104] : memref<4800000xi32, #tpu.memory_space<hbm>> -> memref<5000xi32, #tpu.memory_space<hbm>>
        %dma_start3A_114 = arith.constant 5008 : i32
        %dma_start3A_115 = tpu.memref_slice %arg6[%dma_start3A_114] : memref<15024xi32, #tpu.memory_space<vmem>> -> memref<5000xi32, #tpu.memory_space<vmem>>
        tpu.enqueue_dma source(%dma_start3A_115 : memref<5000xi32, #tpu.memory_space<vmem>>) target(%dma_start3A_113 : memref<5000xi32, #tpu.memory_space<hbm>>) target_semaphore(%run_scoped3A : memref<!tpu.dma_semaphore, #tpu.memory_space<semaphore_mem>>)
        %dma_wait3A = arith.constant 5008 : i32
        %dma_wait3A_116 = tpu.memref_slice %arg6[%dma_wait3A] : memref<15024xi32, #tpu.memory_space<vmem>> -> memref<5000xi32, #tpu.memory_space<vmem>>
        %dma_wait3A_117 = tpu.memref_slice %arg3[%add3A_104] : memref<4800000xi32, #tpu.memory_space<hbm>> -> memref<5000xi32, #tpu.memory_space<hbm>>
        %dma_wait3A_118 = tpu.memref_slice %arg3[%add3A_104] : memref<4800000xi32, #tpu.memory_space<hbm>> -> memref<5000xi32, #tpu.memory_space<hbm>>
        %dma_wait3A_119 = arith.constant 5008 : i32
        %dma_wait3A_120 = tpu.memref_slice %arg6[%dma_wait3A_119] : memref<15024xi32, #tpu.memory_space<vmem>> -> memref<5000xi32, #tpu.memory_space<vmem>>
        tpu.wait_dma2 semaphore(%run_scoped3A : memref<!tpu.dma_semaphore, #tpu.memory_space<semaphore_mem>>) src(%dma_wait3A_120 : memref<5000xi32, #tpu.memory_space<vmem>>) dst(%dma_wait3A_118 : memref<5000xi32, #tpu.memory_space<hbm>>)
        tpu.yield
      }) : () -> ()
      %add3A_105 = arith.constant 400000 : i32
      %add3A_106 = arith.addi %add3A_92, %add3A_105 : i32
      "tpu.region"() ({
        %run_scoped3A = tpu.sem_alloc : memref<!tpu.dma_semaphore, #tpu.memory_space<semaphore_mem>>
        %dma_start3A = arith.constant 10016 : i32
        %dma_start3A_111 = tpu.memref_slice %arg6[%dma_start3A] : memref<15024xi32, #tpu.memory_space<vmem>> -> memref<5000xi32, #tpu.memory_space<vmem>>
        %dma_start3A_112 = tpu.memref_slice %arg3[%add3A_106] : memref<4800000xi32, #tpu.memory_space<hbm>> -> memref<5000xi32, #tpu.memory_space<hbm>>
        %dma_start3A_113 = tpu.memref_slice %arg3[%add3A_106] : memref<4800000xi32, #tpu.memory_space<hbm>> -> memref<5000xi32, #tpu.memory_space<hbm>>
        %dma_start3A_114 = arith.constant 10016 : i32
        %dma_start3A_115 = tpu.memref_slice %arg6[%dma_start3A_114] : memref<15024xi32, #tpu.memory_space<vmem>> -> memref<5000xi32, #tpu.memory_space<vmem>>
        tpu.enqueue_dma source(%dma_start3A_115 : memref<5000xi32, #tpu.memory_space<vmem>>) target(%dma_start3A_113 : memref<5000xi32, #tpu.memory_space<hbm>>) target_semaphore(%run_scoped3A : memref<!tpu.dma_semaphore, #tpu.memory_space<semaphore_mem>>)
        %dma_wait3A = arith.constant 10016 : i32
        %dma_wait3A_116 = tpu.memref_slice %arg6[%dma_wait3A] : memref<15024xi32, #tpu.memory_space<vmem>> -> memref<5000xi32, #tpu.memory_space<vmem>>
        %dma_wait3A_117 = tpu.memref_slice %arg3[%add3A_106] : memref<4800000xi32, #tpu.memory_space<hbm>> -> memref<5000xi32, #tpu.memory_space<hbm>>
        %dma_wait3A_118 = tpu.memref_slice %arg3[%add3A_106] : memref<4800000xi32, #tpu.memory_space<hbm>> -> memref<5000xi32, #tpu.memory_space<hbm>>
        %dma_wait3A_119 = arith.constant 10016 : i32
        %dma_wait3A_120 = tpu.memref_slice %arg6[%dma_wait3A_119] : memref<15024xi32, #tpu.memory_space<vmem>> -> memref<5000xi32, #tpu.memory_space<vmem>>
        tpu.wait_dma2 semaphore(%run_scoped3A : memref<!tpu.dma_semaphore, #tpu.memory_space<semaphore_mem>>) src(%dma_wait3A_120 : memref<5000xi32, #tpu.memory_space<vmem>>) dst(%dma_wait3A_118 : memref<5000xi32, #tpu.memory_space<hbm>>)
        tpu.yield
      }) : () -> ()
      %add3A_107 = arith.constant 600000 : i32
      %add3A_108 = arith.addi %add3A_92, %add3A_107 : i32
      %add3A_109 = arith.constant 200000 : i32
      %add3A_110 = arith.addi %add3A_108, %add3A_109 : i32
      "tpu.region"() ({
        %run_scoped3A = tpu.sem_alloc : memref<!tpu.dma_semaphore, #tpu.memory_space<semaphore_mem>>
        %dma_start3A = arith.constant 10016 : i32
        %dma_start3A_111 = tpu.memref_slice %arg6[%dma_start3A] : memref<15024xi32, #tpu.memory_space<vmem>> -> memref<5000xi32, #tpu.memory_space<vmem>>
        %dma_start3A_112 = tpu.memref_slice %arg3[%add3A_110] : memref<4800000xi32, #tpu.memory_space<hbm>> -> memref<5000xi32, #tpu.memory_space<hbm>>
        %dma_start3A_113 = tpu.memref_slice %arg3[%add3A_110] : memref<4800000xi32, #tpu.memory_space<hbm>> -> memref<5000xi32, #tpu.memory_space<hbm>>
        %dma_start3A_114 = arith.constant 10016 : i32
        %dma_start3A_115 = tpu.memref_slice %arg6[%dma_start3A_114] : memref<15024xi32, #tpu.memory_space<vmem>> -> memref<5000xi32, #tpu.memory_space<vmem>>
        tpu.enqueue_dma source(%dma_start3A_115 : memref<5000xi32, #tpu.memory_space<vmem>>) target(%dma_start3A_113 : memref<5000xi32, #tpu.memory_space<hbm>>) target_semaphore(%run_scoped3A : memref<!tpu.dma_semaphore, #tpu.memory_space<semaphore_mem>>)
        %dma_wait3A = arith.constant 10016 : i32
        %dma_wait3A_116 = tpu.memref_slice %arg6[%dma_wait3A] : memref<15024xi32, #tpu.memory_space<vmem>> -> memref<5000xi32, #tpu.memory_space<vmem>>
        %dma_wait3A_117 = tpu.memref_slice %arg3[%add3A_110] : memref<4800000xi32, #tpu.memory_space<hbm>> -> memref<5000xi32, #tpu.memory_space<hbm>>
        %dma_wait3A_118 = tpu.memref_slice %arg3[%add3A_110] : memref<4800000xi32, #tpu.memory_space<hbm>> -> memref<5000xi32, #tpu.memory_space<hbm>>
        %dma_wait3A_119 = arith.constant 10016 : i32
        %dma_wait3A_120 = tpu.memref_slice %arg6[%dma_wait3A_119] : memref<15024xi32, #tpu.memory_space<vmem>> -> memref<5000xi32, #tpu.memory_space<vmem>>
        tpu.wait_dma2 semaphore(%run_scoped3A : memref<!tpu.dma_semaphore, #tpu.memory_space<semaphore_mem>>) src(%dma_wait3A_120 : memref<5000xi32, #tpu.memory_space<vmem>>) dst(%dma_wait3A_118 : memref<5000xi32, #tpu.memory_space<hbm>>)
        tpu.yield
      }) : () -> ()
    }
    %scan3A_40 = arith.constant 5 : i32
    return
  }
}

module attributes {stable_mosaic.version = 14 : i64} {
  func.func @_copy_body(%arg0: i32, %arg1: memref<8000x128xf32, #tpu.memory_space<vmem>>, %arg2: memref<8000x128xf32, #tpu.memory_space<vmem>>) attributes {dimension_semantics = [#tpu.dimension_semantics<arbitrary>], iteration_bounds = array<i64: 50>, scalar_prefetch = 0 : i64, scratch_operands = 0 : i64, tpu.core_type = #tpu.core_type<tc>, window_params = [{transform_indices = @transform_0, window_bounds = array<i64: 8000, 128>}, {transform_indices = @transform_1, window_bounds = array<i64: 8000, 128>}]} {
    %get3A = arith.constant 0 : index
    %get3A_0 = arith.constant 0 : index
    %get3A_1 = vector.load %arg1[%get3A, %get3A_0] : memref<8000x128xf32, #tpu.memory_space<vmem>>, vector<8000x128xf32>
    %swap3A = arith.constant 0 : index
    %swap3A_2 = arith.constant 0 : index
    %swap3A_3 = vector.load %arg2[%swap3A, %swap3A_2] : memref<8000x128xf32, #tpu.memory_space<vmem>>, vector<8000x128xf32>
    tpu.vector_store %arg2[%swap3A, %swap3A_2], %get3A_1 {strides = array<i32>} : memref<8000x128xf32, #tpu.memory_space<vmem>>, vector<8000x128xf32>,
    return
  }
  func.func @transform_0(%arg0: i32) -> (i32, i32) {
    %c0_i32 = arith.constant 0 : i32
    %c0_i32_0 = arith.constant 0 : i32
    return %arg0, %c0_i32 : i32, i32
  }
  func.func @transform_1(%arg0: i32) -> (i32, i32) {
    %c0_i32 = arith.constant 0 : i32
    %c0_i32_0 = arith.constant 0 : i32
    return %arg0, %c0_i32 : i32, i32
  }
}

</mosaic_0001>

<sc_bundles>
// kernel: kernel.4.cloned.1.call-start
scs
__scs_entry_jumppad:
0x0: {  	(pc) =	sbr.rel $0x88, $3  }
0x1: {  	(tag) =	ssettag $0x0;
	lr =	simm.s32 $0x1  }
0x2: {  	[smem:$0x3F9F] =	sst lr;
	_ =	strace $0xD0000000  }
0x3: {  	_ = 	snop  }
0x4: {  	_ = 	snop  }
0x5: {  	_ = 	snop  }
0x6: {  	_ = 	snop  }
0x7: {  	_ = 	snop  }
__scs_overlays_trampoline_lowered:
0x8: {  	[smem:$0x3FAE] =	sst s0  }
0x9: {  	[smem:$0x3FAF] =	sst s1  }
0xa: {  	[smem:$0x3FB0] =	sst s2  }
0xb: {  	[smem:$0x3FB1] =	sst s3  }
0xc: {  	[smem:$0x3FB2] =	sst s4  }
0xd: {  	[smem:$0x3FB3] =	sst s5  }
0xe: {  	[smem:$0x3FB4] =	sst s6  }
0xf: {  	[smem:$0x3FB5] =	sst s7  }
0x10: {  	[smem:$0x3FB6] =	sst s8  }
0x11: {  	[smem:$0x3FB7] =	sst s9;
	s0 =	simm.s32 @!p0 $0x0  }
0x12: {  	s1 =	sld [smem:$0x3F9D];
	s0 =	simm.s32 @p0 $0x1  }
0x13: {  	[smem:$0x3FB8] =	sst s0;
	s0 =	simm.s32 @!p1 $0x0  }
0x14: {  	s2 =	sld [smem:$0x3F9C];
	s0 =	simm.s32 @p1 $0x1  }
0x15: {  	[smem:$0x3FB9] =	sst s0;
	s0 =	simm.s32 @!p2 $0x0  }
0x16: {  	s3 =	sld [smem:$0x3FDB];
	s0 =	simm.s32 @p2 $0x1  }
0x17: {  	s4 =	simm.s32 $0x1BF5;
	[smem:$0x3FBB] =	sst s0  }
0x18: {  	s0 =	sld [smem:$0x3F9E];
	_ =	swait.ge [sflag:s4], $0x0  }
0x19: {  	s7 =	sld [smem:$0x3F9F]  }
0x1a: {  	s8 =	sadd.s32 $0xFFFFE003, lr  }
0x1b: {  	s9 =	sadd.s32 $0xFFFFFEF7, lr;
	s5 =	simm.s32 $0xFFFFFFFF;
	p2 =	slt.u32 s8, $0xFFFFF086  }
0x1c: {  	p1 =	slt.u32 s9, $0xF7A;
	s5 =	simm.s32 @!p2 $0x0  }
0x1d: {  	s5 =	simm.s32 @p1 $0x1;
	p0 =	seq.s32 s7, s2  }
0x1e: {  	s7 =	smul.u32 @!p0 $0xF7A, s2;
	p2 =	seq.s32 @!p0 s5, $0x0  }
0x1f: {  	s9 =	smul.u32 $0xF7A, s1;
	s8 =	simm.s32 @!p0 $0x1BF5;
	p2 =	por !p2, p0  }
0x20: {  	[sflag:s8] =	ssyncset.s32 @!p0 $0xFFFFF086;
	s6 =	sadd.s32 @!p0 s3, s7;
	s7 =	simm.s32 @!p0 $0x108  }
0x21: {  	s3 =	sadd.s32 s3, s9;
	s6 =	sadd.s32 @!p0 $0x88, s6;
	s7 =	simm.s32 @p2 $0x1082  }
0x22: {  	[simem:s7], [sflag:s8] =	dma.local @!p0 [hbm:s6], $0xF7A  }
0x23: {  	s9 =	sor.u32 $0xD0000000, s2;
	s6 =	simm.s32 $0x108;
	_ =	swait.ge @!p0 [sflag:s8], $0x0  }
0x24: {  	s3 =	sadd.s32 $0x88, s3;
	s6 =	simm.s32 @!p1 $0x1082;
	[sflag:s4] =	ssyncset.s32 $0xFFFFF086  }
0x25: {  	[simem:s6], [sflag:s4] =	dma.local [hbm:s3], $0xF7A  }
0x26: {  	[smem:$0x3F9F] =	sst s1;
	(tag) =	ssettag s2;
	_ =	strace s9  }
0x27: {  	s1 =	sld [smem:$0x3FAF]  }
0x28: {  	s2 =	sld [smem:$0x3FB0]  }
0x29: {  	s4 =	sld [smem:$0x3FB2]  }
0x2a: {  	p0 =	seq.s32 s5, $0x0;
	s5 =	sld [smem:$0x3FB3]  }
0x2b: {  	s6 =	sld [smem:$0x3FB4]  }
0x2c: {  	s7 =	sld [smem:$0x3FB5]  }
0x2d: {  	s3 =	simm.s32 $0x108;
	s8 =	sld [smem:$0x3FB6]  }
0x2e: {  	s3 =	simm.s32 @!p0 $0x1082;
	s9 =	sld [smem:$0x3FB7]  }
0x2f: {  	lr =	sadd.s32 s0, s3;
	s0 =	sld [smem:$0x3FAE]  }
0x30: {  	s3 =	sld [smem:$0x3FB1]  }
0x31: {  	[smem:$0x3FBA] =	sst s10  }
0x32: {  	s10 =	sld [smem:$0x3FB8];
	_ =	sdelay $0x3  }
0x33: {  	p0 =	seq.s32 s10, $0x1;
	s10 =	sld [smem:$0x3FBA];
	_ =	sdelay $0x3  }
0x34: {  	[smem:$0x3FBA] =	sst s10  }
0x35: {  	s10 =	sld [smem:$0x3FB9];
	_ =	sdelay $0x3  }
0x36: {  	p1 =	seq.s32 s10, $0x1;
	s10 =	sld [smem:$0x3FBA];
	_ =	sdelay $0x3  }
0x37: {  	[smem:$0x3FBA] =	sst s10  }
0x38: {  	s10 =	sld [smem:$0x3FBB]  }
0x39: {  	_ = 	snop;
	(pc) =	sbr.ind lr, $3  }
0x3a: {  	_ = 	snop  }
0x3b: {  	_ = 	snop  }
0x3c: {  	p2 =	seq.s32 s10, $0x1;
	s10 =	sld [smem:$0x3FBA]  }
0x3d: {  	_ =	shalt  }
0x3e: {  	_ =	shalt  }
0x3f: {  	_ =	shalt  }
0x40: {  	_ =	shalt  }
0x41: {  	_ =	shalt  }
0x42: {  	_ =	shalt  }
0x43: {  	_ =	shalt  }
0x44: {  	_ =	shalt  }
0x45: {  	_ =	shalt  }
0x46: {  	_ =	shalt  }
0x47: {  	_ =	shalt  }
0x48: {  	_ =	shalt  }
0x49: {  	_ =	shalt  }
0x4a: {  	_ =	shalt  }
0x4b: {  	_ =	shalt  }
0x4c: {  	_ =	shalt  }
0x4d: {  	_ =	shalt  }
0x4e: {  	_ =	shalt  }
0x4f: {  	_ =	shalt  }
0x50: {  	_ =	shalt  }
0x51: {  	_ =	shalt  }
0x52: {  	_ =	shalt  }
0x53: {  	_ =	shalt  }
0x54: {  	_ =	shalt  }
0x55: {  	_ =	shalt  }
0x56: {  	_ =	shalt  }
0x57: {  	_ =	shalt  }
0x58: {  	_ =	shalt  }
0x59: {  	_ =	shalt  }
0x5a: {  	_ =	shalt  }
0x5b: {  	_ =	shalt  }
0x5c: {  	_ =	shalt  }
0x5d: {  	_ =	shalt  }
0x5e: {  	_ =	shalt  }
0x5f: {  	_ =	shalt  }
0x60: {  	_ =	shalt  }
0x61: {  	_ =	shalt  }
0x62: {  	_ =	shalt  }
0x63: {  	_ =	shalt  }
0x64: {  	_ =	shalt  }
0x65: {  	_ =	shalt  }
0x66: {  	_ =	shalt  }
0x67: {  	_ =	shalt  }
0x68: {  	_ =	shalt  }
0x69: {  	_ =	shalt  }
0x6a: {  	_ =	shalt  }
0x6b: {  	_ =	shalt  }
0x6c: {  	_ =	shalt  }
0x6d: {  	_ =	shalt  }
0x6e: {  	_ =	shalt  }
0x6f: {  	_ =	shalt  }
0x70: {  	_ =	shalt  }
0x71: {  	_ =	shalt  }
0x72: {  	_ =	shalt  }
0x73: {  	_ =	shalt  }
0x74: {  	_ =	shalt  }
0x75: {  	_ =	shalt  }
0x76: {  	_ =	shalt  }
0x77: {  	_ =	shalt  }
0x78: {  	_ =	shalt  }
0x79: {  	_ =	shalt  }
0x7a: {  	_ =	shalt  }
0x7b: {  	_ =	shalt  }
0x7c: {  	_ =	shalt  }
0x7d: {  	_ =	shalt  }
0x7e: {  	_ =	shalt  }
0x7f: {  	_ =	shalt  }
0x80: {  	_ =	shalt  }
0x81: {  	_ =	shalt  }
0x82: {  	_ =	shalt  }
0x83: {  	_ =	shalt  }
0x84: {  	_ =	shalt  }
0x85: {  	_ =	shalt  }
0x86: {  	_ =	shalt  }
0x87: {  	_ =	shalt  }
.Lfunc_end0:
.L_simem_size_0:
called_computation_lowered:
.L_overlay_start_0:
0x88: {  	s2 =	sld [smem:$0x3FD9]  }
0x89: {  	s3 =	sld [smem:$0x3FFE];
	_ =	sdelay $0x1  }
0x8a: {  	s1 =	srdreg.scid  }
0x8b: {  	s0 =	sand.u32 $0x1, s1  }
0x8c: {  	s14 =	sshll.u32 s0, $0xA;
	s2 =	sadd.s32 s3, s2  }
0x8d: {  	s2 =	sadd.s32 s2, s14  }
0x8e: {  	[smem:$0x3FC6] =	sst s2  }
0x8f: {  	_ = 	snop  }
0x90: {  	s2 =	sld [smem:$0x3FD0];
	_ =	sdelay $0x2  }
0x91: {  	s15 =	simm.s32 $0xA;
	s4 =	simm.s32 $0x10  }
0x92: {  	[smem:s4], [sflag:s15] =	dma.local [hbm:s2], $0x1  }
0x93: {  	_ =	swait.eq [sflag:s15], $0x1  }
0x94: {  	[sflag:s15] =	ssyncset.done $0x0  }
0x95: {  	[sflag:s15] =	ssyncadd.s32 $0xFFFFFFFF  }
0x96: {  	s16 =	sld [smem:$0x11];
	(tm) =	ssettm $0x1  }
0x97: {  	s17 =	sld [smem:$0x3FFB];
	_ =	sdelay $0x3  }
0x98: {  	_ =	strace s17  }
0x99: {  	s3 =	sld [smem:$0x3FFC];
	_ =	sdelay $0x3  }
0x9a: {  	_ =	strace s3  }
0x9b: {  	s3 =	sld [smem:$0x3FFD];
	_ =	sdelay $0x3  }
0x9c: {  	_ =	strace s3  }
0x9d: {  	_ =	strace $0x8FFFFFFF  }
0x9e: {  	s18 =	sld [smem:$0x3FDB];
	_ =	sdelay $0x1  }
0x9f: {  	s19 =	simm.s32 $_scs_section_size  }
0xa0: {  	s5 =	simm.s32 $_size__tile_overlayer_lowered;
	s6 =	simm.s32 $_tile_overlayer_lowered  }
0xa1: {  	s22 =	simm.s32 $0x1BFF;
	s21 =	sshll.u32 s6, $0x1;
	s3 =	sadd.s32 s19, s18  }
0xa2: {  	s7 =	simm.s32 $0x0;
	s20 =	sshll.u32 s5, $0x1;
	s5 =	sadd.s32 s21, s3  }
0xa3: {  	[timem:s7], [sflag:s22] =	dma.local [hbm:s5], s20  }
0xa4: {  	_ =	swait.ge [sflag:s22], s20  }
0xa5: {  	s4 =	ssub.s32 $0x0, s20;
	[sflag:s22] =	ssyncset.done $0x0  }
0xa6: {  	[sflag:s22] =	ssyncadd.s32 s4;
	_ =	sdelay $0x1  }
0xa7: {  	s23 =	simm.s32 $0x1B8B  }
0xa8: {  	_ =	swait.ge [sflag:s23], $0x1  }
0xa9: {  	[sflag:s23] =	ssyncset.done $0x0  }
0xaa: {  	s25 =	simm.s32 $0x1B8E;
	s24 =	sld [smem:$0x3FFE];
	[sflag:s23] =	ssyncadd.s32 $0xFFFFFFFF  }
0xab: {  	s26 =	simm.s32 $execute0_lowered;
	[smem:$0x3FD2] =	sst s25  }
0xac: {  	s5 =	sshll.u32 s26, $0x1;
	_ =	strace $0x80000046;
	[dreg:$0x1] =	wrdreg $0xFFFFFFFF  }
0xad: {  	s28 =	simm.s32 $_size_execute0_lowered;
	s3 =	sadd.s32 s3, s5;
	[dreg:$0x0] =	wrdreg $0x0  }
0xae: {  	s5 =	sshll.u32 s28, $0x1;
	[dreg:$0x2] =	wrdreg s3  }
0xaf: {  	[dreg:$0x3] =	wrdreg s5  }
0xb0: {  	[dreg:$0x4] =	wrdreg $0xC0  }
0xb1: {  	_ =	task [dreg:s7], $0x5FFFF  }
0xb2: {  	[dreg:$0x1] =	wrdreg $0xFFFFFFFF  }
0xb3: {  	[dreg:$0x0] =	wrdreg $0x60  }
0xb4: {  	[dreg:$0x2] =	wrdreg s16  }
0xb5: {  	[dreg:$0x3] =	wrdreg s24  }
0xb6: {  	[dreg:$0x4] =	wrdreg $0x9  }
0xb7: {  	_ =	task.clear_ibuf [dreg:s7], $0x5FFFF;
	_ =	strace $0x90000046  }
0xb8: {  	s29 =	simm.s32 $0x9;
	_ =	strace $0x80000048  }
0xb9: {  	_ =	swait.ge [sflag:s29], $0x1  }
0xba: {  	[sflag:s29] =	ssyncadd.s32 $0xFFFFFFFF  }
0xbb: {  	_ =	strace $0x90000048  }
0xbc: {  	_ =	sfence  }
0xbd: {  	s30 =	sld [smem:$0x0];
	_ =	sdelay $0x2  }
0xbe: {  	s31 =	sshll.u32 s1, $0xD;
	s1 =	sshrl.u32 s1, $0x2  }
0xbf: {  	s3 =	sand.u32 $0x4000, s31;
	s1 =	sadd.s32 s1, s30  }
0xc0: {  	s0 =	sor.u32 s3, s0;
	s1 =	sshll.u32 s1, $0x11  }
0xc1: {  	s0 =	sor.u32 s1, s0  }
0xc2: {  	s0 =	sadd.s32 $0x8F2B, s0  }
0xc3: {  	[sflag:s0] =	ssyncadd.remote.s32 $0x1  }
0xc4: {  	_ =	sfence.sel $0xFFFF  }
0xc5: {  	[dreg:$0x0] =	wrdreg $0xFFFFFFFF;
	(pc) =	sbr.abs _section_cstart, $3  }
0xc6: {  	[dreg:$0x1] =	wrdreg $0xFFFFFFFF  }
0xc7: {  	_ =	task.clear_ibuf [dreg:s7], $0x2FFFF;
	_ =	strace $0x9FFFFFFF  }
0xc8: {  	(tm) =	ssettm $0x7FFFFFFF  }
0xc9: {  	_ =	shalt  }
tec
execute0_lowered:
.L_overlay_start_1:
0x0: {  	(tag) =	ssettag $0x1  }
0x1: {  	s2 =	rddreg [dreg:$0x0]  }
0x2: {  	s7 =	rddreg [dreg:$0x1]  }
0x3: {  	s0 =	rddreg [dreg:$0x2]  }
0x4: {  	s1 =	stileid.u32;
	s3 =	simm.s32 $0x0;
	s4 =	srdreg.scid  }
0x5: {  	s11 =	simm.s32 $0x3B00;
	s12 =	simm.s32 $0x4E90;
	s13 =	simm.s32 $0x6220  }
0x6: {  	s14 =	simm.s32 $0x0;
	s5 =	sshll.u32 s1, $0x1;
	[smem:$0x7FF] =	sst s3  }
0x7: {  	v0 =	vlaneseq.u32;
	s4 =	sand.u32 $0x1, s4;
	s9 =	sshrl.u32 s1, $0x2;
	s5 =	sand.u32 $0x6, s5  }
0x8: {  	v0 =	vmul.u32 $0x3, v0;
	s8 =	ssub.s32 $0x2, s4;
	s6 =	smul.u32 $0x927C0, s9;
	s5 =	sor.u32 s4, s5  }
0x9: {  	_ =	strace $0x80000047;
	s10 =	sshrl.u32 s8, $0x1;
	s4 =	smul.u32 $0x61A8, s5  }
0xa: {  	v1 =	vadd.s32 $0x1, v0;
	v2 =	vadd.s32 $0x2, v0;
	s5 =	sadd.s32 $0x49E00, s7;
	s7 =	sadd.s32 $0xA00, s7;
	s10 =	ssub.s32 s8, s10  }
0xb: {  	v3 =	vor.u32 $0x3A80, v0;
	v4 =	vadd.s32 $0x3A81, v0;
	v5 =	vadd.s32 $0x3A82, v0;
	s8 =	smul.u32 $0x124F80, s9;
	s9 =	smax.u32 s10, $0x1;
	s10 =	simm.s32 $0x1  }
.LBB2_1:
0xc: {  	s15 =	simm.s32 $0x0  }
.LBB2_2:
0xd: {  	s16 =	smul.u32 $0x1388, s15;
	_ =	sdelay $0x1  }
0xe: {  	s16 =	sadd.s32 s4, s16  }
0xf: {  	s17 =	smul.u32 $0x3, s16;
	_ =	sdelay $0x1  }
0x10: {  	s17 =	sadd.s32 s6, s17  }
0x11: {  	s17 =	sshrl.u32 s17, $0x3  }
0x12: {  	s19 =	simm.s32 $0x0;
	s18 =	sadd.s32 s2, s17  }
0x13: {  	[tilespmem:s19], [sflag:$0x1] =	stream.linear.gather [hbm4b:s18+s19], $0x3A98, $0x38;
	[tilespmem:$0x7600] =	vst v63  }
0x14: {  	_ =	swait.ge [sflag:s10], $0x3A98  }
0x15: {  	[sflag:s10] =	ssyncset.done $0x0  }
0x16: {  	v6 =	vadd.s32 s19, v0;
	s17 =	sadd.s32 s7, s17;
	[sflag:s10] =	ssyncadd.s32 $0xFFFFC568  }
0x17: {  	[hbm4b:s17+s19] =	stream.linear.scatter [tilespmem:s19], [sflag:$0x1], $0x3A98, $0x38;
	[tilespmem:$0x7600] =	vst v63  }
0x18: {  	_ =	swait.ge [sflag:s10], $0x3A98  }
0x19: {  	[sflag:s10] =	ssyncset.done $0x0  }
0x1a: {  	[sflag:s10] =	ssyncadd.s32 $0xFFFFC568  }
0x1b: {  	v6 =	vld.idx.msk [tilespmem:v6+s3+$0x0], $0xffff  }
0x1c: {  	v7 =	vadd.s32 s19, v1;
	_ =	sdelay $0x2  }
0x1d: {  	s17 =	simm.s32 $0x4EA0  }
0x1e: {  	[tilespmem:s17+$0xFFFFEC60] =	vst v6  }
0x1f: {  	v6 =	vld.idx.msk [tilespmem:v7+s3+$0x0], $0xffff  }
0x20: {  	v7 =	vadd.s32 s19, v2;
	_ =	sdelay $0x3  }
0x21: {  	[tilespmem:s17+$0xFFFFFFF0] =	vst v6  }
0x22: {  	s31 =	simm.s32 $0x30;
	v6 =	vld.idx.msk [tilespmem:v7+s3+$0x0], $0xffff  }
0x23: {  	v7 =	vadd.s32 s31, v0;
	_ =	sdelay $0x3  }
0x24: {  	[tilespmem:s17+$0x1380] =	vst v6  }
0x25: {  	v6 =	vld.idx.msk [tilespmem:v7+s3+$0x0], $0xffff  }
0x26: {  	v7 =	vadd.s32 s31, v1;
	_ =	sdelay $0x3  }
0x27: {  	[tilespmem:s17+$0xFFFFEC70] =	vst v6  }
0x28: {  	v6 =	vld.idx.msk [tilespmem:v7+s3+$0x0], $0xffff  }
0x29: {  	v7 =	vadd.s32 s31, v2;
	_ =	sdelay $0x3  }
0x2a: {  	[tilespmem:s17+$0x0] =	vst v6  }
0x2b: {  	s18 =	simm.s32 $0x0;
	s19 =	simm.s32 $0x60;
	v6 =	vld.idx.msk [tilespmem:v7+s3+$0x0], $0xffff  }
.LBB2_3:
0x2c: {  	v7 =	vadd.s32 s19, v0;
	s18 =	sadd.s32 $0x2, s18  }
0x2d: {  	p0 =	slt.u32 s18, $0x136;
	_ =	sdelay $0x2  }
0x2e: {  	[tilespmem:s17+$0x1390] =	vst v6  }
0x2f: {  	v6 =	vld.idx.msk [tilespmem:v7+s3+$0x0], $0xffff;
	_ =	sdelay $0x1  }
0x30: {  	v7 =	vadd.s32 s19, v1;
	_ =	sdelay $0x2  }
0x31: {  	s17 =	sadd.s32 $0x20, s17  }
0x32: {  	[tilespmem:s17+$0xFFFFEC60] =	vst v6  }
0x33: {  	v6 =	vld.idx.msk [tilespmem:v7+s3+$0x0], $0xffff;
	_ =	sdelay $0x1  }
0x34: {  	v7 =	vadd.s32 s19, v2;
	_ =	sdelay $0x3  }
0x35: {  	[tilespmem:s17+$0xFFFFFFF0] =	vst v6  }
0x36: {  	v6 =	vld.idx.msk [tilespmem:v7+s3+$0x0], $0xffff  }
0x37: {  	s20 =	sadd.s32 $0x30, s19  }
0x38: {  	v7 =	vadd.s32 s20, v0;
	_ =	sdelay $0x3  }
0x39: {  	[tilespmem:s17+$0x1380] =	vst v6  }
0x3a: {  	v6 =	vld.idx.msk [tilespmem:v7+s3+$0x0], $0xffff;
	_ =	sdelay $0x1  }
0x3b: {  	v7 =	vadd.s32 s20, v1;
	_ =	sdelay $0x3  }
0x3c: {  	[tilespmem:s17+$0xFFFFEC70] =	vst v6  }
0x3d: {  	v6 =	vld.idx.msk [tilespmem:v7+s3+$0x0], $0xffff;
	_ =	sdelay $0x1  }
0x3e: {  	v7 =	vadd.s32 s20, v2;
	_ =	sdelay $0x1  }
.Ltmp0:
0x3f: {  	(pc) =	sbr.rel @p0 .LBB2_3-.Ltmp0, $4  }
0x40: {  	_ = 	snop  }
0x41: {  	[tilespmem:s17+$0x0] =	vst v6  }
0x42: {  	v6 =	vld.idx.msk [tilespmem:v7+s3+$0x0], $0xffff  }
0x43: {  	s19 =	sadd.s32 $0x60, s19  }
0x44: {  	_ =	sdelay $0x2  }
0x45: {  	[tilespmem:s17+$0x1390] =	vst v6  }
0x46: {  	v6 =	vld.idx.msk [tilespmem:v3+s3+$0x0], $0xffff;
	_ =	sdelay $0x4  }
0x47: {  	[tilespmem:$0x4E80] =	vst v6  }
0x48: {  	v6 =	vld.idx.msk [tilespmem:v4+s3+$0x0], $0xffff;
	_ =	sdelay $0x4  }
0x49: {  	[tilespmem:$0x6210] =	vst v6  }
0x4a: {  	v6 =	vld.idx.msk [tilespmem:v5+s3+$0x0], $0xffff;
	_ =	sdelay $0x2  }
0x4b: {  	s16 =	sadd.s32 s8, s16  }
0x4c: {  	s16 =	sshrl.u32 s16, $0x3  }
0x4d: {  	s16 =	sadd.s32 s5, s16;
	[tilespmem:$0x75A0] =	vst v6  }
0x4e: {  	[hbm4b:s16+s3] =	stream.linear.scatter [tilespmem:s11], [sflag:$0x1], $0x1388, $0x38;
	[tilespmem:$0x7600] =	vst v63  }
0x4f: {  	_ =	swait.ge [sflag:s10], $0x1388  }
0x50: {  	[sflag:s10] =	ssyncset.done $0x0  }
0x51: {  	s28 =	sadd.s32 $0x1E848, s16;
	[sflag:s10] =	ssyncadd.s32 $0xFFFFEC78  }
0x52: {  	[hbm4b:s28+s3] =	stream.linear.scatter [tilespmem:s11], [sflag:$0x1], $0x1388, $0x38;
	[tilespmem:$0x7600] =	vst v63  }
0x53: {  	_ =	swait.ge [sflag:s10], $0x1388  }
0x54: {  	[sflag:s10] =	ssyncset.done $0x0  }
0x55: {  	s29 =	sadd.s32 $0x61A8, s16;
	[sflag:s10] =	ssyncadd.s32 $0xFFFFEC78  }
0x56: {  	[hbm4b:s29+s3] =	stream.linear.scatter [tilespmem:s12], [sflag:$0x1], $0x1388, $0x38;
	[tilespmem:$0x7600] =	vst v63  }
0x57: {  	_ =	swait.ge [sflag:s10], $0x1388  }
0x58: {  	[sflag:s10] =	ssyncset.done $0x0  }
0x59: {  	s30 =	sadd.s32 $0x124F8, s16;
	[sflag:s10] =	ssyncadd.s32 $0xFFFFEC78  }
0x5a: {  	[hbm4b:s30+s3] =	stream.linear.scatter [tilespmem:s12], [sflag:$0x1], $0x1388, $0x38;
	[tilespmem:$0x7600] =	vst v63  }
0x5b: {  	_ =	swait.ge [sflag:s10], $0x1388  }
0x5c: {  	[sflag:s10] =	ssyncset.done $0x0  }
0x5d: {  	s31 =	sadd.s32 $0xC350, s16;
	[sflag:s10] =	ssyncadd.s32 $0xFFFFEC78  }
0x5e: {  	[hbm4b:s31+s3] =	stream.linear.scatter [tilespmem:s13], [sflag:$0x1], $0x1388, $0x38;
	[tilespmem:$0x7600] =	vst v63  }
0x5f: {  	s15 =	sadd.s32 $0x1, s15;
	_ =	swait.ge [sflag:s10], $0x1388  }
0x60: {  	p0 =	sne.s32 s15, $0x5;
	[sflag:s10] =	ssyncset.done $0x0  }
.Ltmp1:
0x61: {  	s16 =	sadd.s32 $0x186A0, s16;
	[sflag:s10] =	ssyncadd.s32 $0xFFFFEC78;
	(pc) =	sbr.rel @p0 .LBB2_2-.Ltmp1, $4  }
0x62: {  	[hbm4b:s16+s3] =	stream.linear.scatter [tilespmem:s13], [sflag:$0x1], $0x1388, $0x38;
	[tilespmem:$0x7600] =	vst v63  }
0x63: {  	_ =	swait.ge [sflag:s10], $0x1388  }
0x64: {  	[sflag:s10] =	ssyncset.done $0x0  }
0x65: {  	[sflag:s10] =	ssyncadd.s32 $0xFFFFEC78  }
0x66: {  	s14 =	sadd.s32 $0x1, s14  }
0x67: {  	p0 =	sne.s32 s14, s9  }
.Ltmp2:
0x68: {  	_ = 	snop;
	(pc) =	sbr.rel @p0 .LBB2_1-.Ltmp2, $1  }
0x69: {  	_ =	sdelay $0x3  }
0x6a: {  	_ =	sfence.sel $0x180000  }
0x6b: {  	[bflag:$0x0] =	sbarrier.arrive $0xFFFF  }
0x6c: {  	p0 =	sne.s32 s1, $0x0;
	_ =	strace $0x90000047  }
0x6d: {  	s0 =	sadd.s32 @!p0 $0x100000, s0;
	[bflag:$0x2] =	sbarrier.arrive $0xFFFF  }
0x6e: {  	[sflag:s0] =	ssyncadd.tile.s32 @!p0 $0x1;
	_ =	shalt  }
.Lfunc_end2:
_tile_overlayer_lowered:
.L_overlay_start_2:
0x6f: {  	(tag) =	ssettag $0x2  }
0x70: {  	s0 =	rddreg [dreg:$0x0];
	s2 =	stileid.u32  }
0x71: {  	s1 =	rddreg [dreg:$0x1];
	p0 =	sne.s32 s2, $0x0  }
0x72: {  	s3 =	rddreg [dreg:$0x2];
	[bflag:$0x3] =	sbarrier.arrive $0xFFFF;
	s2 =	simm.s32 @!p0 $0x1C01  }
0x73: {  	[timem:s3], [sflag:s2] =	dma.local @!p0 [hbm:s0], s1  }
0x74: {  	s0 =	simm.s32 @!p0 $0x1  }
0x75: {  	_ =	swait.ge @!p0 [sflag:s0], s1  }
0x76: {  	s1 =	ssub.s32 @!p0 $0x0, s1;
	[sflag:s0] =	ssyncset.done @!p0 $0x0  }
0x77: {  	[sflag:s0] =	ssyncadd.s32 @!p0 s1  }
0x78: {  	[bflag:$0x3] =	sbarrier.arrive $0xFFFF  }
0x79: {  	_ =	shalt  }

</sc_bundles>
